<compile_context>
chip_gen: v7x
topology: tpu7x:2x2x1
jax: 0.10.2.dev20260603
libtpu: 0.0.44.dev20260713+nightly
codegen_flags: <defaults>
</compile_context>

<pallas_src>
import functools

import jax
import jax.numpy as jnp
from jax import lax
from jax.experimental import pallas as pl
from jax.experimental.pallas import tpu as pltpu
from jax.experimental.pallas import tpu_sc as plsc

CHUNKS = (64, 64, 64, 64, 64, 64, 64, 64)


def _gather_call(B, V, D, dtype):
    info = plsc.get_sparse_core_info()
    NC, NS = info.num_cores, info.num_subcores
    NW = NC * NS
    b_per_w = B // NW
    assert sum(CHUNKS) == b_per_w
    n_chunk = len(CHUNKS)
    offs = [sum(CHUNKS[:j]) for j in range(n_chunk)]
    stage_main = 64
    stage_tail = V - 15 * stage_main

    mesh = plsc.VectorSubcoreMesh(core_axis_name="c", subcore_axis_name="s")

    @functools.partial(
        pl.kernel,
        mesh=mesh,
        out_type=jax.ShapeDtypeStruct((B, D), dtype),
        scratch_types=(
            [
                pltpu.VMEM_SHARED((V, D), dtype),
                pltpu.VMEM((b_per_w,), jnp.int32),
            ]
            + [pltpu.VMEM((c, D), dtype) for c in CHUNKS]
            + [pltpu.SemaphoreType.DMA for _ in range(2 * n_chunk)]
        ),
    )
    def k(t_hbm, pe_hbm, out_hbm, table_sh, idx_v, *bufs_and_sems):
        bufs = bufs_and_sems[:n_chunk]
        gsems = bufs_and_sems[n_chunk : 2 * n_chunk]
        osems = bufs_and_sems[2 * n_chunk :]
        c = lax.axis_index("c")
        s = lax.axis_index("s")
        wid = s * NC + c
        base = wid * b_per_w

        pltpu.sync_copy(t_hbm.at[pl.ds(base, b_per_w)], idx_v)
        g0 = pltpu.async_copy(
            pe_hbm.at[idx_v.at[pl.ds(0, CHUNKS[0])]], bufs[0], gsems[0]
        )

        @pl.when(s < 15)
        def _():
            pltpu.sync_copy(
                pe_hbm.at[pl.ds(s * stage_main, stage_main)],
                table_sh.at[pl.ds(s * stage_main, stage_main)],
            )

        @pl.when(s == 15)
        def _():
            pltpu.sync_copy(
                pe_hbm.at[pl.ds(15 * stage_main, stage_tail)],
                table_sh.at[pl.ds(15 * stage_main, stage_tail)],
            )

        plsc.subcore_barrier()

        gathers = [g0] + [
            pltpu.async_copy(
                table_sh.at[idx_v.at[pl.ds(offs[j], CHUNKS[j])]], bufs[j], gsems[j]
            )
            for j in range(1, n_chunk)
        ]
        outs = []
        for j in range(n_chunk):
            gathers[j].wait()
            outs.append(
                pltpu.async_copy(
                    bufs[j], out_hbm.at[pl.ds(base + offs[j], CHUNKS[j])], osems[j]
                )
            )
        for o in outs:
            o.wait()

    return k


def kernel(t, pe):
    t = t.astype(jnp.int32)
    if t.ndim > 1:
        t = jnp.squeeze(t, axis=-1)
    B = t.shape[0]
    V, D = pe.shape
    return _gather_call(B, V, D, pe.dtype)(t, pe)

# --- scband reference (transcript-rebuilt; emitter-appended) ---
"""Pipeline reference for scband-sinusoidal-time-embedding-62173946577469 (READ-ONLY COPY).

The authoritative reference and input builder live on the scoring server;
editing this copy changes nothing except your own understanding.
"""

import jax, jax.numpy as jnp
import numpy as np
import math

NUM_STEPS = 1000
EMBED_DIM = 128
BATCH = 16384

def _build_pe(num_steps, embed_dim):
    position = jnp.arange(num_steps, dtype=jnp.float32)[:, None]
    div_term = jnp.exp(jnp.arange(0, embed_dim, 2, dtype=jnp.float32) * (-math.log(10000.0) / embed_dim))
    pe = jnp.zeros((num_steps, embed_dim), dtype=jnp.float32)
    pe = pe.at[:, 0::2].set(jnp.sin(position * div_term))
    pe = pe.at[:, 1::2].set(jnp.cos(position * div_term))
    return pe

def setup_inputs(seed: int = 0) -> dict:
    key = jax.random.key(seed)
    t = jax.random.randint(key, (BATCH,), 0, NUM_STEPS)
    pe = _build_pe(NUM_STEPS, EMBED_DIM)
    return {"t": t, "pe": pe}

def reference(t, pe):
    # forward: t cast to int (already int), squeeze handled by 1-D input, then gather rows
    t = t.astype(jnp.int32)
    if t.ndim > 1:
        t = jnp.squeeze(t, axis=-1)
    return jnp.take(pe, t, axis=0)

if __name__ == "__main__":
    import jax
    _d = setup_inputs()
    print(jax.jit(kernel)(*tuple(_d.values())))

</pallas_src>

<mosaic_0001>
#map = affine_map<(d0, d1) -> (0)>
#map1 = affine_map<(d0, d1) -> (0, 0)>
module attributes {stable_mosaic.version = 14 : i64} {
  func.func @k(%arg0: i32, %arg1: i32, %arg2: memref<16384xi32, #tpu.memory_space<hbm>>, %arg3: memref<1000x128xf32, #tpu.memory_space<hbm>>, %arg4: memref<16384x128xf32, #tpu.memory_space<hbm>>, %arg5: memref<1000x128xf32, #tpu.memory_space<vmem_shared>>, %arg6: memref<512xi32, #tpu.memory_space<vmem>>, %arg7: memref<64x128xf32, #tpu.memory_space<vmem>>, %arg8: memref<64x128xf32, #tpu.memory_space<vmem>>, %arg9: memref<64x128xf32, #tpu.memory_space<vmem>>, %arg10: memref<64x128xf32, #tpu.memory_space<vmem>>, %arg11: memref<64x128xf32, #tpu.memory_space<vmem>>, %arg12: memref<64x128xf32, #tpu.memory_space<vmem>>, %arg13: memref<64x128xf32, #tpu.memory_space<vmem>>, %arg14: memref<64x128xf32, #tpu.memory_space<vmem>>, %arg15: memref<!tpu.dma_semaphore, #tpu.memory_space<semaphore_mem>>, %arg16: memref<!tpu.dma_semaphore, #tpu.memory_space<semaphore_mem>>, %arg17: memref<!tpu.dma_semaphore, #tpu.memory_space<semaphore_mem>>, %arg18: memref<!tpu.dma_semaphore, #tpu.memory_space<semaphore_mem>>, %arg19: memref<!tpu.dma_semaphore, #tpu.memory_space<semaphore_mem>>, %arg20: memref<!tpu.dma_semaphore, #tpu.memory_space<semaphore_mem>>, %arg21: memref<!tpu.dma_semaphore, #tpu.memory_space<semaphore_mem>>, %arg22: memref<!tpu.dma_semaphore, #tpu.memory_space<semaphore_mem>>, %arg23: memref<!tpu.dma_semaphore, #tpu.memory_space<semaphore_mem>>, %arg24: memref<!tpu.dma_semaphore, #tpu.memory_space<semaphore_mem>>, %arg25: memref<!tpu.dma_semaphore, #tpu.memory_space<semaphore_mem>>, %arg26: memref<!tpu.dma_semaphore, #tpu.memory_space<semaphore_mem>>, %arg27: memref<!tpu.dma_semaphore, #tpu.memory_space<semaphore_mem>>, %arg28: memref<!tpu.dma_semaphore, #tpu.memory_space<semaphore_mem>>, %arg29: memref<!tpu.dma_semaphore, #tpu.memory_space<semaphore_mem>>, %arg30: memref<!tpu.dma_semaphore, #tpu.memory_space<semaphore_mem>>) attributes {dimension_semantics = [#tpu.dimension_semantics<core_parallel>, #tpu.dimension_semantics<subcore_parallel>], iteration_bounds = array<i64: 2, 16>, scalar_prefetch = 0 : i64, scratch_operands = 26 : i64, tpu.core_type = #tpu.core_type<sc_vector_subcore>, window_params = [{transform_indices = #map}, {transform_indices = #map1}, {transform_indices = #map1}]} {
    %mul3A = arith.constant 2 : i32
    %mul3A_0 = arith.muli %arg1, %mul3A : i32
    %add3A = arith.addi %mul3A_0, %arg0 : i32
    %mul3A_1 = arith.constant 512 : i32
    %mul3A_2 = arith.muli %add3A, %mul3A_1 : i32
    "tpu.region"() ({
      %run_scoped3A = tpu.sem_alloc : memref<!tpu.dma_semaphore, #tpu.memory_space<semaphore_mem>>
      %dma_start3A_167 = tpu.memref_slice %arg2[%mul3A_2] : memref<16384xi32, #tpu.memory_space<hbm>> -> memref<512xi32, #tpu.memory_space<hbm>>
      %dma_start3A_168 = tpu.memref_slice %arg2[%mul3A_2] : memref<16384xi32, #tpu.memory_space<hbm>> -> memref<512xi32, #tpu.memory_space<hbm>>
      tpu.enqueue_dma source(%dma_start3A_168 : memref<512xi32, #tpu.memory_space<hbm>>) target(%arg6 : memref<512xi32, #tpu.memory_space<vmem>>) target_semaphore(%run_scoped3A : memref<!tpu.dma_semaphore, #tpu.memory_space<semaphore_mem>>)
      %dma_wait3A_169 = tpu.memref_slice %arg2[%mul3A_2] : memref<16384xi32, #tpu.memory_space<hbm>> -> memref<512xi32, #tpu.memory_space<hbm>>
      %dma_wait3A_170 = tpu.memref_slice %arg2[%mul3A_2] : memref<16384xi32, #tpu.memory_space<hbm>> -> memref<512xi32, #tpu.memory_space<hbm>>
      tpu.wait_dma2 semaphore(%run_scoped3A : memref<!tpu.dma_semaphore, #tpu.memory_space<semaphore_mem>>) src(%dma_wait3A_170 : memref<512xi32, #tpu.memory_space<hbm>>) dst(%arg6 : memref<512xi32, #tpu.memory_space<vmem>>)
      tpu.yield
    }) : () -> ()
    %dma_start3A = arith.constant 0 : i32
    %dma_start3A_3 = tpu.memref_slice %arg6[%dma_start3A] : memref<512xi32, #tpu.memory_space<vmem>> -> memref<64xi32, #tpu.memory_space<vmem>>
    %dma_start3A_4 = arith.constant 0 : i32
    %dma_start3A_5 = arith.constant 0 : i32
    %dma_start3A_6 = tpu.memref_slice %arg3[%dma_start3A_4, %dma_start3A_5] : memref<1000x128xf32, #tpu.memory_space<hbm>> -> memref<1000x128xf32, #tpu.memory_space<hbm>>
    tpu.enqueue_indirect_dma source(%dma_start3A_6 : memref<1000x128xf32, #tpu.memory_space<hbm>>) target(%arg7 : memref<64x128xf32, #tpu.memory_space<vmem>>) offsets(%dma_start3A_3 : memref<64xi32, #tpu.memory_space<vmem>>) semaphore(%arg15 : memref<!tpu.dma_semaphore, #tpu.memory_space<semaphore_mem>>)
    %lt3A = arith.constant 15 : i32
    %lt3A_7 = arith.cmpi slt, %arg1, %lt3A : i32
    %convert_element_type3A = arith.extui %lt3A_7 : i1 to i32
    %cond3A = arith.constant 0 : i32
    %cond3A_8 = arith.cmpi ne, %convert_element_type3A, %cond3A : i32
    scf.if %cond3A_8 {
      %mul3A_167 = arith.constant 64 : i32
      %mul3A_168 = arith.muli %arg1, %mul3A_167 : i32
      %mul3A_169 = arith.constant 64 : i32
      %mul3A_170 = arith.muli %arg1, %mul3A_169 : i32
      "tpu.region"() ({
        %run_scoped3A = tpu.sem_alloc : memref<!tpu.dma_semaphore, #tpu.memory_space<semaphore_mem>>
        %dma_start3A_171 = arith.constant 0 : i32
        %dma_start3A_172 = tpu.memref_slice %arg5[%mul3A_170, %dma_start3A_171] : memref<1000x128xf32, #tpu.memory_space<vmem_shared>> -> memref<64x128xf32, #tpu.memory_space<vmem_shared>>
        %dma_start3A_173 = arith.constant 0 : i32
        %dma_start3A_174 = tpu.memref_slice %arg3[%mul3A_168, %dma_start3A_173] : memref<1000x128xf32, #tpu.memory_space<hbm>> -> memref<64x128xf32, #tpu.memory_space<hbm>>
        tpu.enqueue_dma source(%dma_start3A_174 : memref<64x128xf32, #tpu.memory_space<hbm>>) target(%dma_start3A_172 : memref<64x128xf32, #tpu.memory_space<vmem_shared>>) target_semaphore(%run_scoped3A : memref<!tpu.dma_semaphore, #tpu.memory_space<semaphore_mem>>)
        %dma_wait3A_175 = arith.constant 0 : i32
        %dma_wait3A_176 = tpu.memref_slice %arg5[%mul3A_170, %dma_wait3A_175] : memref<1000x128xf32, #tpu.memory_space<vmem_shared>> -> memref<64x128xf32, #tpu.memory_space<vmem_shared>>
        %dma_wait3A_177 = arith.constant 0 : i32
        %dma_wait3A_178 = tpu.memref_slice %arg3[%mul3A_168, %dma_wait3A_177] : memref<1000x128xf32, #tpu.memory_space<hbm>> -> memref<64x128xf32, #tpu.memory_space<hbm>>
        tpu.wait_dma2 semaphore(%run_scoped3A : memref<!tpu.dma_semaphore, #tpu.memory_space<semaphore_mem>>) src(%dma_wait3A_178 : memref<64x128xf32, #tpu.memory_space<hbm>>) dst(%dma_wait3A_176 : memref<64x128xf32, #tpu.memory_space<vmem_shared>>)
        tpu.yield
      }) : () -> ()
    } else {
    }
    %eq3A = arith.constant 15 : i32
    %eq3A_9 = arith.cmpi eq, %arg1, %eq3A : i32
    %convert_element_type3A_10 = arith.extui %eq3A_9 : i1 to i32
    %cond3A_11 = arith.constant 0 : i32
    %cond3A_12 = arith.cmpi ne, %convert_element_type3A_10, %cond3A_11 : i32
    scf.if %cond3A_12 {
      "tpu.region"() ({
        %run_scoped3A = tpu.sem_alloc : memref<!tpu.dma_semaphore, #tpu.memory_space<semaphore_mem>>
        %dma_start3A_167 = arith.constant 960 : i32
        %dma_start3A_168 = arith.constant 0 : i32
        %dma_start3A_169 = tpu.memref_slice %arg5[%dma_start3A_167, %dma_start3A_168] : memref<1000x128xf32, #tpu.memory_space<vmem_shared>> -> memref<40x128xf32, #tpu.memory_space<vmem_shared>>
        %dma_start3A_170 = arith.constant 960 : i32
        %dma_start3A_171 = arith.constant 0 : i32
        %dma_start3A_172 = tpu.memref_slice %arg3[%dma_start3A_170, %dma_start3A_171] : memref<1000x128xf32, #tpu.memory_space<hbm>> -> memref<40x128xf32, #tpu.memory_space<hbm>>
        tpu.enqueue_dma source(%dma_start3A_172 : memref<40x128xf32, #tpu.memory_space<hbm>>) target(%dma_start3A_169 : memref<40x128xf32, #tpu.memory_space<vmem_shared>>) target_semaphore(%run_scoped3A : memref<!tpu.dma_semaphore, #tpu.memory_space<semaphore_mem>>)
        %dma_wait3A_173 = arith.constant 960 : i32
        %dma_wait3A_174 = arith.constant 0 : i32
        %dma_wait3A_175 = tpu.memref_slice %arg5[%dma_wait3A_173, %dma_wait3A_174] : memref<1000x128xf32, #tpu.memory_space<vmem_shared>> -> memref<40x128xf32, #tpu.memory_space<vmem_shared>>
        %dma_wait3A_176 = arith.constant 960 : i32
        %dma_wait3A_177 = arith.constant 0 : i32
        %dma_wait3A_178 = tpu.memref_slice %arg3[%dma_wait3A_176, %dma_wait3A_177] : memref<1000x128xf32, #tpu.memory_space<hbm>> -> memref<40x128xf32, #tpu.memory_space<hbm>>
        tpu.wait_dma2 semaphore(%run_scoped3A : memref<!tpu.dma_semaphore, #tpu.memory_space<semaphore_mem>>) src(%dma_wait3A_178 : memref<40x128xf32, #tpu.memory_space<hbm>>) dst(%dma_wait3A_175 : memref<40x128xf32, #tpu.memory_space<vmem_shared>>)
        tpu.yield
      }) : () -> ()
    } else {
    }
    %barrier3A = arith.constant 0 : index
    tpu.barrier barrier_id(%barrier3A)
    %dma_start3A_13 = arith.constant 64 : i32
    %dma_start3A_14 = tpu.memref_slice %arg6[%dma_start3A_13] : memref<512xi32, #tpu.memory_space<vmem>> -> memref<64xi32, #tpu.memory_space<vmem>>
    %dma_start3A_15 = arith.constant 0 : i32
    %dma_start3A_16 = arith.constant 0 : i32
    %dma_start3A_17 = tpu.memref_slice %arg5[%dma_start3A_15, %dma_start3A_16] : memref<1000x128xf32, #tpu.memory_space<vmem_shared>> -> memref<1000x128xf32, #tpu.memory_space<vmem_shared>>
    tpu.enqueue_indirect_dma source(%dma_start3A_17 : memref<1000x128xf32, #tpu.memory_space<vmem_shared>>) target(%arg8 : memref<64x128xf32, #tpu.memory_space<vmem>>) offsets(%dma_start3A_14 : memref<64xi32, #tpu.memory_space<vmem>>) semaphore(%arg16 : memref<!tpu.dma_semaphore, #tpu.memory_space<semaphore_mem>>)
    %dma_start3A_18 = arith.constant 128 : i32
    %dma_start3A_19 = tpu.memref_slice %arg6[%dma_start3A_18] : memref<512xi32, #tpu.memory_space<vmem>> -> memref<64xi32, #tpu.memory_space<vmem>>
    %dma_start3A_20 = arith.constant 0 : i32
    %dma_start3A_21 = arith.constant 0 : i32
    %dma_start3A_22 = tpu.memref_slice %arg5[%dma_start3A_20, %dma_start3A_21] : memref<1000x128xf32, #tpu.memory_space<vmem_shared>> -> memref<1000x128xf32, #tpu.memory_space<vmem_shared>>
    tpu.enqueue_indirect_dma source(%dma_start3A_22 : memref<1000x128xf32, #tpu.memory_space<vmem_shared>>) target(%arg9 : memref<64x128xf32, #tpu.memory_space<vmem>>) offsets(%dma_start3A_19 : memref<64xi32, #tpu.memory_space<vmem>>) semaphore(%arg17 : memref<!tpu.dma_semaphore, #tpu.memory_space<semaphore_mem>>)
    %dma_start3A_23 = arith.constant 192 : i32
    %dma_start3A_24 = tpu.memref_slice %arg6[%dma_start3A_23] : memref<512xi32, #tpu.memory_space<vmem>> -> memref<64xi32, #tpu.memory_space<vmem>>
    %dma_start3A_25 = arith.constant 0 : i32
    %dma_start3A_26 = arith.constant 0 : i32
    %dma_start3A_27 = tpu.memref_slice %arg5[%dma_start3A_25, %dma_start3A_26] : memref<1000x128xf32, #tpu.memory_space<vmem_shared>> -> memref<1000x128xf32, #tpu.memory_space<vmem_shared>>
    tpu.enqueue_indirect_dma source(%dma_start3A_27 : memref<1000x128xf32, #tpu.memory_space<vmem_shared>>) target(%arg10 : memref<64x128xf32, #tpu.memory_space<vmem>>) offsets(%dma_start3A_24 : memref<64xi32, #tpu.memory_space<vmem>>) semaphore(%arg18 : memref<!tpu.dma_semaphore, #tpu.memory_space<semaphore_mem>>)
    %dma_start3A_28 = arith.constant 256 : i32
    %dma_start3A_29 = tpu.memref_slice %arg6[%dma_start3A_28] : memref<512xi32, #tpu.memory_space<vmem>> -> memref<64xi32, #tpu.memory_space<vmem>>
    %dma_start3A_30 = arith.constant 0 : i32
    %dma_start3A_31 = arith.constant 0 : i32
    %dma_start3A_32 = tpu.memref_slice %arg5[%dma_start3A_30, %dma_start3A_31] : memref<1000x128xf32, #tpu.memory_space<vmem_shared>> -> memref<1000x128xf32, #tpu.memory_space<vmem_shared>>
    tpu.enqueue_indirect_dma source(%dma_start3A_32 : memref<1000x128xf32, #tpu.memory_space<vmem_shared>>) target(%arg11 : memref<64x128xf32, #tpu.memory_space<vmem>>) offsets(%dma_start3A_29 : memref<64xi32, #tpu.memory_space<vmem>>) semaphore(%arg19 : memref<!tpu.dma_semaphore, #tpu.memory_space<semaphore_mem>>)
    %dma_start3A_33 = arith.constant 320 : i32
    %dma_start3A_34 = tpu.memref_slice %arg6[%dma_start3A_33] : memref<512xi32, #tpu.memory_space<vmem>> -> memref<64xi32, #tpu.memory_space<vmem>>
    %dma_start3A_35 = arith.constant 0 : i32
    %dma_start3A_36 = arith.constant 0 : i32
    %dma_start3A_37 = tpu.memref_slice %arg5[%dma_start3A_35, %dma_start3A_36] : memref<1000x128xf32, #tpu.memory_space<vmem_shared>> -> memref<1000x128xf32, #tpu.memory_space<vmem_shared>>
    tpu.enqueue_indirect_dma source(%dma_start3A_37 : memref<1000x128xf32, #tpu.memory_space<vmem_shared>>) target(%arg12 : memref<64x128xf32, #tpu.memory_space<vmem>>) offsets(%dma_start3A_34 : memref<64xi32, #tpu.memory_space<vmem>>) semaphore(%arg20 : memref<!tpu.dma_semaphore, #tpu.memory_space<semaphore_mem>>)
    %dma_start3A_38 = arith.constant 384 : i32
    %dma_start3A_39 = tpu.memref_slice %arg6[%dma_start3A_38] : memref<512xi32, #tpu.memory_space<vmem>> -> memref<64xi32, #tpu.memory_space<vmem>>
    %dma_start3A_40 = arith.constant 0 : i32
    %dma_start3A_41 = arith.constant 0 : i32
    %dma_start3A_42 = tpu.memref_slice %arg5[%dma_start3A_40, %dma_start3A_41] : memref<1000x128xf32, #tpu.memory_space<vmem_shared>> -> memref<1000x128xf32, #tpu.memory_space<vmem_shared>>
    tpu.enqueue_indirect_dma source(%dma_start3A_42 : memref<1000x128xf32, #tpu.memory_space<vmem_shared>>) target(%arg13 : memref<64x128xf32, #tpu.memory_space<vmem>>) offsets(%dma_start3A_39 : memref<64xi32, #tpu.memory_space<vmem>>) semaphore(%arg21 : memref<!tpu.dma_semaphore, #tpu.memory_space<semaphore_mem>>)
    %dma_start3A_43 = arith.constant 448 : i32
    %dma_start3A_44 = tpu.memref_slice %arg6[%dma_start3A_43] : memref<512xi32, #tpu.memory_space<vmem>> -> memref<64xi32, #tpu.memory_space<vmem>>
    %dma_start3A_45 = arith.constant 0 : i32
    %dma_start3A_46 = arith.constant 0 : i32
    %dma_start3A_47 = tpu.memref_slice %arg5[%dma_start3A_45, %dma_start3A_46] : memref<1000x128xf32, #tpu.memory_space<vmem_shared>> -> memref<1000x128xf32, #tpu.memory_space<vmem_shared>>
    tpu.enqueue_indirect_dma source(%dma_start3A_47 : memref<1000x128xf32, #tpu.memory_space<vmem_shared>>) target(%arg14 : memref<64x128xf32, #tpu.memory_space<vmem>>) offsets(%dma_start3A_44 : memref<64xi32, #tpu.memory_space<vmem>>) semaphore(%arg22 : memref<!tpu.dma_semaphore, #tpu.memory_space<semaphore_mem>>)
    %dma_wait3A = arith.constant 0 : i32
    %dma_wait3A_48 = tpu.memref_slice %arg6[%dma_wait3A] : memref<512xi32, #tpu.memory_space<vmem>> -> memref<64xi32, #tpu.memory_space<vmem>>
    %dma_wait3A_49 = arith.constant 0 : i32
    %dma_wait3A_50 = arith.constant 0 : i32
    %dma_wait3A_51 = tpu.memref_slice %arg3[%dma_wait3A_49, %dma_wait3A_50] : memref<1000x128xf32, #tpu.memory_space<hbm>> -> memref<1000x128xf32, #tpu.memory_space<hbm>>
    tpu.wait_indirect_dma semaphore(%arg15 : memref<!tpu.dma_semaphore, #tpu.memory_space<semaphore_mem>>) src(%dma_wait3A_51 : memref<1000x128xf32, #tpu.memory_space<hbm>>) dst(%arg7 : memref<64x128xf32, #tpu.memory_space<vmem>>)
    %add3A_52 = arith.constant 0 : i32
    %add3A_53 = arith.addi %mul3A_2, %add3A_52 : i32
    %dma_start3A_54 = arith.constant 0 : i32
    %dma_start3A_55 = tpu.memref_slice %arg4[%add3A_53, %dma_start3A_54] : memref<16384x128xf32, #tpu.memory_space<hbm>> -> memref<64x128xf32, #tpu.memory_space<hbm>>
    %dma_start3A_56 = arith.constant 0 : i32
    %dma_start3A_57 = tpu.memref_slice %arg4[%add3A_53, %dma_start3A_56] : memref<16384x128xf32, #tpu.memory_space<hbm>> -> memref<64x128xf32, #tpu.memory_space<hbm>>
    tpu.enqueue_dma source(%arg7 : memref<64x128xf32, #tpu.memory_space<vmem>>) target(%dma_start3A_57 : memref<64x128xf32, #tpu.memory_space<hbm>>) target_semaphore(%arg23 : memref<!tpu.dma_semaphore, #tpu.memory_space<semaphore_mem>>)
    %dma_wait3A_58 = arith.constant 64 : i32
    %dma_wait3A_59 = tpu.memref_slice %arg6[%dma_wait3A_58] : memref<512xi32, #tpu.memory_space<vmem>> -> memref<64xi32, #tpu.memory_space<vmem>>
    %dma_wait3A_60 = arith.constant 0 : i32
    %dma_wait3A_61 = arith.constant 0 : i32
    %dma_wait3A_62 = tpu.memref_slice %arg5[%dma_wait3A_60, %dma_wait3A_61] : memref<1000x128xf32, #tpu.memory_space<vmem_shared>> -> memref<1000x128xf32, #tpu.memory_space<vmem_shared>>
    tpu.wait_indirect_dma semaphore(%arg16 : memref<!tpu.dma_semaphore, #tpu.memory_space<semaphore_mem>>) src(%dma_wait3A_62 : memref<1000x128xf32, #tpu.memory_space<vmem_shared>>) dst(%arg8 : memref<64x128xf32, #tpu.memory_space<vmem>>)
    %add3A_63 = arith.constant 64 : i32
    %add3A_64 = arith.addi %mul3A_2, %add3A_63 : i32
    %dma_start3A_65 = arith.constant 0 : i32
    %dma_start3A_66 = tpu.memref_slice %arg4[%add3A_64, %dma_start3A_65] : memref<16384x128xf32, #tpu.memory_space<hbm>> -> memref<64x128xf32, #tpu.memory_space<hbm>>
    %dma_start3A_67 = arith.constant 0 : i32
    %dma_start3A_68 = tpu.memref_slice %arg4[%add3A_64, %dma_start3A_67] : memref<16384x128xf32, #tpu.memory_space<hbm>> -> memref<64x128xf32, #tpu.memory_space<hbm>>
    tpu.enqueue_dma source(%arg8 : memref<64x128xf32, #tpu.memory_space<vmem>>) target(%dma_start3A_68 : memref<64x128xf32, #tpu.memory_space<hbm>>) target_semaphore(%arg24 : memref<!tpu.dma_semaphore, #tpu.memory_space<semaphore_mem>>)
    %dma_wait3A_69 = arith.constant 128 : i32
    %dma_wait3A_70 = tpu.memref_slice %arg6[%dma_wait3A_69] : memref<512xi32, #tpu.memory_space<vmem>> -> memref<64xi32, #tpu.memory_space<vmem>>
    %dma_wait3A_71 = arith.constant 0 : i32
    %dma_wait3A_72 = arith.constant 0 : i32
    %dma_wait3A_73 = tpu.memref_slice %arg5[%dma_wait3A_71, %dma_wait3A_72] : memref<1000x128xf32, #tpu.memory_space<vmem_shared>> -> memref<1000x128xf32, #tpu.memory_space<vmem_shared>>
    tpu.wait_indirect_dma semaphore(%arg17 : memref<!tpu.dma_semaphore, #tpu.memory_space<semaphore_mem>>) src(%dma_wait3A_73 : memref<1000x128xf32, #tpu.memory_space<vmem_shared>>) dst(%arg9 : memref<64x128xf32, #tpu.memory_space<vmem>>)
    %add3A_74 = arith.constant 128 : i32
    %add3A_75 = arith.addi %mul3A_2, %add3A_74 : i32
    %dma_start3A_76 = arith.constant 0 : i32
    %dma_start3A_77 = tpu.memref_slice %arg4[%add3A_75, %dma_start3A_76] : memref<16384x128xf32, #tpu.memory_space<hbm>> -> memref<64x128xf32, #tpu.memory_space<hbm>>
    %dma_start3A_78 = arith.constant 0 : i32
    %dma_start3A_79 = tpu.memref_slice %arg4[%add3A_75, %dma_start3A_78] : memref<16384x128xf32, #tpu.memory_space<hbm>> -> memref<64x128xf32, #tpu.memory_space<hbm>>
    tpu.enqueue_dma source(%arg9 : memref<64x128xf32, #tpu.memory_space<vmem>>) target(%dma_start3A_79 : memref<64x128xf32, #tpu.memory_space<hbm>>) target_semaphore(%arg25 : memref<!tpu.dma_semaphore, #tpu.memory_space<semaphore_mem>>)
    %dma_wait3A_80 = arith.constant 192 : i32
    %dma_wait3A_81 = tpu.memref_slice %arg6[%dma_wait3A_80] : memref<512xi32, #tpu.memory_space<vmem>> -> memref<64xi32, #tpu.memory_space<vmem>>
    %dma_wait3A_82 = arith.constant 0 : i32
    %dma_wait3A_83 = arith.constant 0 : i32
    %dma_wait3A_84 = tpu.memref_slice %arg5[%dma_wait3A_82, %dma_wait3A_83] : memref<1000x128xf32, #tpu.memory_space<vmem_shared>> -> memref<1000x128xf32, #tpu.memory_space<vmem_shared>>
    tpu.wait_indirect_dma semaphore(%arg18 : memref<!tpu.dma_semaphore, #tpu.memory_space<semaphore_mem>>) src(%dma_wait3A_84 : memref<1000x128xf32, #tpu.memory_space<vmem_shared>>) dst(%arg10 : memref<64x128xf32, #tpu.memory_space<vmem>>)
    %add3A_85 = arith.constant 192 : i32
    %add3A_86 = arith.addi %mul3A_2, %add3A_85 : i32
    %dma_start3A_87 = arith.constant 0 : i32
    %dma_start3A_88 = tpu.memref_slice %arg4[%add3A_86, %dma_start3A_87] : memref<16384x128xf32, #tpu.memory_space<hbm>> -> memref<64x128xf32, #tpu.memory_space<hbm>>
    %dma_start3A_89 = arith.constant 0 : i32
    %dma_start3A_90 = tpu.memref_slice %arg4[%add3A_86, %dma_start3A_89] : memref<16384x128xf32, #tpu.memory_space<hbm>> -> memref<64x128xf32, #tpu.memory_space<hbm>>
    tpu.enqueue_dma source(%arg10 : memref<64x128xf32, #tpu.memory_space<vmem>>) target(%dma_start3A_90 : memref<64x128xf32, #tpu.memory_space<hbm>>) target_semaphore(%arg26 : memref<!tpu.dma_semaphore, #tpu.memory_space<semaphore_mem>>)
    %dma_wait3A_91 = arith.constant 256 : i32
    %dma_wait3A_92 = tpu.memref_slice %arg6[%dma_wait3A_91] : memref<512xi32, #tpu.memory_space<vmem>> -> memref<64xi32, #tpu.memory_space<vmem>>
    %dma_wait3A_93 = arith.constant 0 : i32
    %dma_wait3A_94 = arith.constant 0 : i32
    %dma_wait3A_95 = tpu.memref_slice %arg5[%dma_wait3A_93, %dma_wait3A_94] : memref<1000x128xf32, #tpu.memory_space<vmem_shared>> -> memref<1000x128xf32, #tpu.memory_space<vmem_shared>>
    tpu.wait_indirect_dma semaphore(%arg19 : memref<!tpu.dma_semaphore, #tpu.memory_space<semaphore_mem>>) src(%dma_wait3A_95 : memref<1000x128xf32, #tpu.memory_space<vmem_shared>>) dst(%arg11 : memref<64x128xf32, #tpu.memory_space<vmem>>)
    %add3A_96 = arith.constant 256 : i32
    %add3A_97 = arith.addi %mul3A_2, %add3A_96 : i32
    %dma_start3A_98 = arith.constant 0 : i32
    %dma_start3A_99 = tpu.memref_slice %arg4[%add3A_97, %dma_start3A_98] : memref<16384x128xf32, #tpu.memory_space<hbm>> -> memref<64x128xf32, #tpu.memory_space<hbm>>
    %dma_start3A_100 = arith.constant 0 : i32
    %dma_start3A_101 = tpu.memref_slice %arg4[%add3A_97, %dma_start3A_100] : memref<16384x128xf32, #tpu.memory_space<hbm>> -> memref<64x128xf32, #tpu.memory_space<hbm>>
    tpu.enqueue_dma source(%arg11 : memref<64x128xf32, #tpu.memory_space<vmem>>) target(%dma_start3A_101 : memref<64x128xf32, #tpu.memory_space<hbm>>) target_semaphore(%arg27 : memref<!tpu.dma_semaphore, #tpu.memory_space<semaphore_mem>>)
    %dma_wait3A_102 = arith.constant 320 : i32
    %dma_wait3A_103 = tpu.memref_slice %arg6[%dma_wait3A_102] : memref<512xi32, #tpu.memory_space<vmem>> -> memref<64xi32, #tpu.memory_space<vmem>>
    %dma_wait3A_104 = arith.constant 0 : i32
    %dma_wait3A_105 = arith.constant 0 : i32
    %dma_wait3A_106 = tpu.memref_slice %arg5[%dma_wait3A_104, %dma_wait3A_105] : memref<1000x128xf32, #tpu.memory_space<vmem_shared>> -> memref<1000x128xf32, #tpu.memory_space<vmem_shared>>
    tpu.wait_indirect_dma semaphore(%arg20 : memref<!tpu.dma_semaphore, #tpu.memory_space<semaphore_mem>>) src(%dma_wait3A_106 : memref<1000x128xf32, #tpu.memory_space<vmem_shared>>) dst(%arg12 : memref<64x128xf32, #tpu.memory_space<vmem>>)
    %add3A_107 = arith.constant 320 : i32
    %add3A_108 = arith.addi %mul3A_2, %add3A_107 : i32
    %dma_start3A_109 = arith.constant 0 : i32
    %dma_start3A_110 = tpu.memref_slice %arg4[%add3A_108, %dma_start3A_109] : memref<16384x128xf32, #tpu.memory_space<hbm>> -> memref<64x128xf32, #tpu.memory_space<hbm>>
    %dma_start3A_111 = arith.constant 0 : i32
    %dma_start3A_112 = tpu.memref_slice %arg4[%add3A_108, %dma_start3A_111] : memref<16384x128xf32, #tpu.memory_space<hbm>> -> memref<64x128xf32, #tpu.memory_space<hbm>>
    tpu.enqueue_dma source(%arg12 : memref<64x128xf32, #tpu.memory_space<vmem>>) target(%dma_start3A_112 : memref<64x128xf32, #tpu.memory_space<hbm>>) target_semaphore(%arg28 : memref<!tpu.dma_semaphore, #tpu.memory_space<semaphore_mem>>)
    %dma_wait3A_113 = arith.constant 384 : i32
    %dma_wait3A_114 = tpu.memref_slice %arg6[%dma_wait3A_113] : memref<512xi32, #tpu.memory_space<vmem>> -> memref<64xi32, #tpu.memory_space<vmem>>
    %dma_wait3A_115 = arith.constant 0 : i32
    %dma_wait3A_116 = arith.constant 0 : i32
    %dma_wait3A_117 = tpu.memref_slice %arg5[%dma_wait3A_115, %dma_wait3A_116] : memref<1000x128xf32, #tpu.memory_space<vmem_shared>> -> memref<1000x128xf32, #tpu.memory_space<vmem_shared>>
    tpu.wait_indirect_dma semaphore(%arg21 : memref<!tpu.dma_semaphore, #tpu.memory_space<semaphore_mem>>) src(%dma_wait3A_117 : memref<1000x128xf32, #tpu.memory_space<vmem_shared>>) dst(%arg13 : memref<64x128xf32, #tpu.memory_space<vmem>>)
    %add3A_118 = arith.constant 384 : i32
    %add3A_119 = arith.addi %mul3A_2, %add3A_118 : i32
    %dma_start3A_120 = arith.constant 0 : i32
    %dma_start3A_121 = tpu.memref_slice %arg4[%add3A_119, %dma_start3A_120] : memref<16384x128xf32, #tpu.memory_space<hbm>> -> memref<64x128xf32, #tpu.memory_space<hbm>>
    %dma_start3A_122 = arith.constant 0 : i32
    %dma_start3A_123 = tpu.memref_slice %arg4[%add3A_119, %dma_start3A_122] : memref<16384x128xf32, #tpu.memory_space<hbm>> -> memref<64x128xf32, #tpu.memory_space<hbm>>
    tpu.enqueue_dma source(%arg13 : memref<64x128xf32, #tpu.memory_space<vmem>>) target(%dma_start3A_123 : memref<64x128xf32, #tpu.memory_space<hbm>>) target_semaphore(%arg29 : memref<!tpu.dma_semaphore, #tpu.memory_space<semaphore_mem>>)
    %dma_wait3A_124 = arith.constant 448 : i32
    %dma_wait3A_125 = tpu.memref_slice %arg6[%dma_wait3A_124] : memref<512xi32, #tpu.memory_space<vmem>> -> memref<64xi32, #tpu.memory_space<vmem>>
    %dma_wait3A_126 = arith.constant 0 : i32
    %dma_wait3A_127 = arith.constant 0 : i32
    %dma_wait3A_128 = tpu.memref_slice %arg5[%dma_wait3A_126, %dma_wait3A_127] : memref<1000x128xf32, #tpu.memory_space<vmem_shared>> -> memref<1000x128xf32, #tpu.memory_space<vmem_shared>>
    tpu.wait_indirect_dma semaphore(%arg22 : memref<!tpu.dma_semaphore, #tpu.memory_space<semaphore_mem>>) src(%dma_wait3A_128 : memref<1000x128xf32, #tpu.memory_space<vmem_shared>>) dst(%arg14 : memref<64x128xf32, #tpu.memory_space<vmem>>)
    %add3A_129 = arith.constant 448 : i32
    %add3A_130 = arith.addi %mul3A_2, %add3A_129 : i32
    %dma_start3A_131 = arith.constant 0 : i32
    %dma_start3A_132 = tpu.memref_slice %arg4[%add3A_130, %dma_start3A_131] : memref<16384x128xf32, #tpu.memory_space<hbm>> -> memref<64x128xf32, #tpu.memory_space<hbm>>
    %dma_start3A_133 = arith.constant 0 : i32
    %dma_start3A_134 = tpu.memref_slice %arg4[%add3A_130, %dma_start3A_133] : memref<16384x128xf32, #tpu.memory_space<hbm>> -> memref<64x128xf32, #tpu.memory_space<hbm>>
    tpu.enqueue_dma source(%arg14 : memref<64x128xf32, #tpu.memory_space<vmem>>) target(%dma_start3A_134 : memref<64x128xf32, #tpu.memory_space<hbm>>) target_semaphore(%arg30 : memref<!tpu.dma_semaphore, #tpu.memory_space<semaphore_mem>>)
    %dma_wait3A_135 = arith.constant 0 : i32
    %dma_wait3A_136 = tpu.memref_slice %arg4[%add3A_53, %dma_wait3A_135] : memref<16384x128xf32, #tpu.memory_space<hbm>> -> memref<64x128xf32, #tpu.memory_space<hbm>>
    %dma_wait3A_137 = arith.constant 0 : i32
    %dma_wait3A_138 = tpu.memref_slice %arg4[%add3A_53, %dma_wait3A_137] : memref<16384x128xf32, #tpu.memory_space<hbm>> -> memref<64x128xf32, #tpu.memory_space<hbm>>
    tpu.wait_dma2 semaphore(%arg23 : memref<!tpu.dma_semaphore, #tpu.memory_space<semaphore_mem>>) src(%arg7 : memref<64x128xf32, #tpu.memory_space<vmem>>) dst(%dma_wait3A_138 : memref<64x128xf32, #tpu.memory_space<hbm>>)
    %dma_wait3A_139 = arith.constant 0 : i32
    %dma_wait3A_140 = tpu.memref_slice %arg4[%add3A_64, %dma_wait3A_139] : memref<16384x128xf32, #tpu.memory_space<hbm>> -> memref<64x128xf32, #tpu.memory_space<hbm>>
    %dma_wait3A_141 = arith.constant 0 : i32
    %dma_wait3A_142 = tpu.memref_slice %arg4[%add3A_64, %dma_wait3A_141] : memref<16384x128xf32, #tpu.memory_space<hbm>> -> memref<64x128xf32, #tpu.memory_space<hbm>>
    tpu.wait_dma2 semaphore(%arg24 : memref<!tpu.dma_semaphore, #tpu.memory_space<semaphore_mem>>) src(%arg8 : memref<64x128xf32, #tpu.memory_space<vmem>>) dst(%dma_wait3A_142 : memref<64x128xf32, #tpu.memory_space<hbm>>)
    %dma_wait3A_143 = arith.constant 0 : i32
    %dma_wait3A_144 = tpu.memref_slice %arg4[%add3A_75, %dma_wait3A_143] : memref<16384x128xf32, #tpu.memory_space<hbm>> -> memref<64x128xf32, #tpu.memory_space<hbm>>
    %dma_wait3A_145 = arith.constant 0 : i32
    %dma_wait3A_146 = tpu.memref_slice %arg4[%add3A_75, %dma_wait3A_145] : memref<16384x128xf32, #tpu.memory_space<hbm>> -> memref<64x128xf32, #tpu.memory_space<hbm>>
    tpu.wait_dma2 semaphore(%arg25 : memref<!tpu.dma_semaphore, #tpu.memory_space<semaphore_mem>>) src(%arg9 : memref<64x128xf32, #tpu.memory_space<vmem>>) dst(%dma_wait3A_146 : memref<64x128xf32, #tpu.memory_space<hbm>>)
    %dma_wait3A_147 = arith.constant 0 : i32
    %dma_wait3A_148 = tpu.memref_slice %arg4[%add3A_86, %dma_wait3A_147] : memref<16384x128xf32, #tpu.memory_space<hbm>> -> memref<64x128xf32, #tpu.memory_space<hbm>>
    %dma_wait3A_149 = arith.constant 0 : i32
    %dma_wait3A_150 = tpu.memref_slice %arg4[%add3A_86, %dma_wait3A_149] : memref<16384x128xf32, #tpu.memory_space<hbm>> -> memref<64x128xf32, #tpu.memory_space<hbm>>
    tpu.wait_dma2 semaphore(%arg26 : memref<!tpu.dma_semaphore, #tpu.memory_space<semaphore_mem>>) src(%arg10 : memref<64x128xf32, #tpu.memory_space<vmem>>) dst(%dma_wait3A_150 : memref<64x128xf32, #tpu.memory_space<hbm>>)
    %dma_wait3A_151 = arith.constant 0 : i32
    %dma_wait3A_152 = tpu.memref_slice %arg4[%add3A_97, %dma_wait3A_151] : memref<16384x128xf32, #tpu.memory_space<hbm>> -> memref<64x128xf32, #tpu.memory_space<hbm>>
    %dma_wait3A_153 = arith.constant 0 : i32
    %dma_wait3A_154 = tpu.memref_slice %arg4[%add3A_97, %dma_wait3A_153] : memref<16384x128xf32, #tpu.memory_space<hbm>> -> memref<64x128xf32, #tpu.memory_space<hbm>>
    tpu.wait_dma2 semaphore(%arg27 : memref<!tpu.dma_semaphore, #tpu.memory_space<semaphore_mem>>) src(%arg11 : memref<64x128xf32, #tpu.memory_space<vmem>>) dst(%dma_wait3A_154 : memref<64x128xf32, #tpu.memory_space<hbm>>)
    %dma_wait3A_155 = arith.constant 0 : i32
    %dma_wait3A_156 = tpu.memref_slice %arg4[%add3A_108, %dma_wait3A_155] : memref<16384x128xf32, #tpu.memory_space<hbm>> -> memref<64x128xf32, #tpu.memory_space<hbm>>
    %dma_wait3A_157 = arith.constant 0 : i32
    %dma_wait3A_158 = tpu.memref_slice %arg4[%add3A_108, %dma_wait3A_157] : memref<16384x128xf32, #tpu.memory_space<hbm>> -> memref<64x128xf32, #tpu.memory_space<hbm>>
    tpu.wait_dma2 semaphore(%arg28 : memref<!tpu.dma_semaphore, #tpu.memory_space<semaphore_mem>>) src(%arg12 : memref<64x128xf32, #tpu.memory_space<vmem>>) dst(%dma_wait3A_158 : memref<64x128xf32, #tpu.memory_space<hbm>>)
    %dma_wait3A_159 = arith.constant 0 : i32
    %dma_wait3A_160 = tpu.memref_slice %arg4[%add3A_119, %dma_wait3A_159] : memref<16384x128xf32, #tpu.memory_space<hbm>> -> memref<64x128xf32, #tpu.memory_space<hbm>>
    %dma_wait3A_161 = arith.constant 0 : i32
    %dma_wait3A_162 = tpu.memref_slice %arg4[%add3A_119, %dma_wait3A_161] : memref<16384x128xf32, #tpu.memory_space<hbm>> -> memref<64x128xf32, #tpu.memory_space<hbm>>
    tpu.wait_dma2 semaphore(%arg29 : memref<!tpu.dma_semaphore, #tpu.memory_space<semaphore_mem>>) src(%arg13 : memref<64x128xf32, #tpu.memory_space<vmem>>) dst(%dma_wait3A_162 : memref<64x128xf32, #tpu.memory_space<hbm>>)
    %dma_wait3A_163 = arith.constant 0 : i32
    %dma_wait3A_164 = tpu.memref_slice %arg4[%add3A_130, %dma_wait3A_163] : memref<16384x128xf32, #tpu.memory_space<hbm>> -> memref<64x128xf32, #tpu.memory_space<hbm>>
    %dma_wait3A_165 = arith.constant 0 : i32
    %dma_wait3A_166 = tpu.memref_slice %arg4[%add3A_130, %dma_wait3A_165] : memref<16384x128xf32, #tpu.memory_space<hbm>> -> memref<64x128xf32, #tpu.memory_space<hbm>>
    tpu.wait_dma2 semaphore(%arg30 : memref<!tpu.dma_semaphore, #tpu.memory_space<semaphore_mem>>) src(%arg14 : memref<64x128xf32, #tpu.memory_space<vmem>>) dst(%dma_wait3A_166 : memref<64x128xf32, #tpu.memory_space<hbm>>)
    return
  }
}

</mosaic_0001>

<sc_bundles>
// kernel: kernel.3.cloned.1.call-start
scs
__scs_entry_jumppad:
0x0: {  	(pc) =	sbr.rel $0x88, $3  }
0x1: {  	(tag) =	ssettag $0x0;
	lr =	simm.s32 $0x1  }
0x2: {  	[smem:$0x3F9F] =	sst lr;
	_ =	strace $0xD0000000  }
0x3: {  	_ = 	snop  }
0x4: {  	_ = 	snop  }
0x5: {  	_ = 	snop  }
0x6: {  	_ = 	snop  }
0x7: {  	_ = 	snop  }
__scs_overlays_trampoline_lowered:
0x8: {  	[smem:$0x3FAE] =	sst s0  }
0x9: {  	[smem:$0x3FAF] =	sst s1  }
0xa: {  	[smem:$0x3FB0] =	sst s2  }
0xb: {  	[smem:$0x3FB1] =	sst s3  }
0xc: {  	[smem:$0x3FB2] =	sst s4  }
0xd: {  	[smem:$0x3FB3] =	sst s5  }
0xe: {  	[smem:$0x3FB4] =	sst s6  }
0xf: {  	[smem:$0x3FB5] =	sst s7  }
0x10: {  	[smem:$0x3FB6] =	sst s8  }
0x11: {  	[smem:$0x3FB7] =	sst s9;
	s0 =	simm.s32 @!p0 $0x0  }
0x12: {  	s1 =	sld [smem:$0x3F9D];
	s0 =	simm.s32 @p0 $0x1  }
0x13: {  	[smem:$0x3FB8] =	sst s0;
	s0 =	simm.s32 @!p1 $0x0  }
0x14: {  	s2 =	sld [smem:$0x3F9C];
	s0 =	simm.s32 @p1 $0x1  }
0x15: {  	[smem:$0x3FB9] =	sst s0;
	s0 =	simm.s32 @!p2 $0x0  }
0x16: {  	s3 =	sld [smem:$0x3FDB];
	s0 =	simm.s32 @p2 $0x1  }
0x17: {  	s4 =	simm.s32 $0x1BF5;
	[smem:$0x3FBB] =	sst s0  }
0x18: {  	s0 =	sld [smem:$0x3F9E];
	_ =	swait.ge [sflag:s4], $0x0  }
0x19: {  	s7 =	sld [smem:$0x3F9F]  }
0x1a: {  	s8 =	sadd.s32 $0xFFFFE003, lr  }
0x1b: {  	s9 =	sadd.s32 $0xFFFFFEF7, lr;
	s5 =	simm.s32 $0xFFFFFFFF;
	p2 =	slt.u32 s8, $0xFFFFF086  }
0x1c: {  	p1 =	slt.u32 s9, $0xF7A;
	s5 =	simm.s32 @!p2 $0x0  }
0x1d: {  	s5 =	simm.s32 @p1 $0x1;
	p0 =	seq.s32 s7, s2  }
0x1e: {  	s7 =	smul.u32 @!p0 $0xF7A, s2;
	p2 =	seq.s32 @!p0 s5, $0x0  }
0x1f: {  	s9 =	smul.u32 $0xF7A, s1;
	s8 =	simm.s32 @!p0 $0x1BF5;
	p2 =	por !p2, p0  }
0x20: {  	[sflag:s8] =	ssyncset.s32 @!p0 $0xFFFFF086;
	s6 =	sadd.s32 @!p0 s3, s7;
	s7 =	simm.s32 @!p0 $0x108  }
0x21: {  	s3 =	sadd.s32 s3, s9;
	s6 =	sadd.s32 @!p0 $0x88, s6;
	s7 =	simm.s32 @p2 $0x1082  }
0x22: {  	[simem:s7], [sflag:s8] =	dma.local @!p0 [hbm:s6], $0xF7A  }
0x23: {  	s9 =	sor.u32 $0xD0000000, s2;
	s6 =	simm.s32 $0x108;
	_ =	swait.ge @!p0 [sflag:s8], $0x0  }
0x24: {  	s3 =	sadd.s32 $0x88, s3;
	s6 =	simm.s32 @!p1 $0x1082;
	[sflag:s4] =	ssyncset.s32 $0xFFFFF086  }
0x25: {  	[simem:s6], [sflag:s4] =	dma.local [hbm:s3], $0xF7A  }
0x26: {  	[smem:$0x3F9F] =	sst s1;
	(tag) =	ssettag s2;
	_ =	strace s9  }
0x27: {  	s1 =	sld [smem:$0x3FAF]  }
0x28: {  	s2 =	sld [smem:$0x3FB0]  }
0x29: {  	s4 =	sld [smem:$0x3FB2]  }
0x2a: {  	p0 =	seq.s32 s5, $0x0;
	s5 =	sld [smem:$0x3FB3]  }
0x2b: {  	s6 =	sld [smem:$0x3FB4]  }
0x2c: {  	s7 =	sld [smem:$0x3FB5]  }
0x2d: {  	s3 =	simm.s32 $0x108;
	s8 =	sld [smem:$0x3FB6]  }
0x2e: {  	s3 =	simm.s32 @!p0 $0x1082;
	s9 =	sld [smem:$0x3FB7]  }
0x2f: {  	lr =	sadd.s32 s0, s3;
	s0 =	sld [smem:$0x3FAE]  }
0x30: {  	s3 =	sld [smem:$0x3FB1]  }
0x31: {  	[smem:$0x3FBA] =	sst s10  }
0x32: {  	s10 =	sld [smem:$0x3FB8];
	_ =	sdelay $0x3  }
0x33: {  	p0 =	seq.s32 s10, $0x1;
	s10 =	sld [smem:$0x3FBA];
	_ =	sdelay $0x3  }
0x34: {  	[smem:$0x3FBA] =	sst s10  }
0x35: {  	s10 =	sld [smem:$0x3FB9];
	_ =	sdelay $0x3  }
0x36: {  	p1 =	seq.s32 s10, $0x1;
	s10 =	sld [smem:$0x3FBA];
	_ =	sdelay $0x3  }
0x37: {  	[smem:$0x3FBA] =	sst s10  }
0x38: {  	s10 =	sld [smem:$0x3FBB]  }
0x39: {  	_ = 	snop;
	(pc) =	sbr.ind lr, $3  }
0x3a: {  	_ = 	snop  }
0x3b: {  	_ = 	snop  }
0x3c: {  	p2 =	seq.s32 s10, $0x1;
	s10 =	sld [smem:$0x3FBA]  }
0x3d: {  	_ =	shalt  }
0x3e: {  	_ =	shalt  }
0x3f: {  	_ =	shalt  }
0x40: {  	_ =	shalt  }
0x41: {  	_ =	shalt  }
0x42: {  	_ =	shalt  }
0x43: {  	_ =	shalt  }
0x44: {  	_ =	shalt  }
0x45: {  	_ =	shalt  }
0x46: {  	_ =	shalt  }
0x47: {  	_ =	shalt  }
0x48: {  	_ =	shalt  }
0x49: {  	_ =	shalt  }
0x4a: {  	_ =	shalt  }
0x4b: {  	_ =	shalt  }
0x4c: {  	_ =	shalt  }
0x4d: {  	_ =	shalt  }
0x4e: {  	_ =	shalt  }
0x4f: {  	_ =	shalt  }
0x50: {  	_ =	shalt  }
0x51: {  	_ =	shalt  }
0x52: {  	_ =	shalt  }
0x53: {  	_ =	shalt  }
0x54: {  	_ =	shalt  }
0x55: {  	_ =	shalt  }
0x56: {  	_ =	shalt  }
0x57: {  	_ =	shalt  }
0x58: {  	_ =	shalt  }
0x59: {  	_ =	shalt  }
0x5a: {  	_ =	shalt  }
0x5b: {  	_ =	shalt  }
0x5c: {  	_ =	shalt  }
0x5d: {  	_ =	shalt  }
0x5e: {  	_ =	shalt  }
0x5f: {  	_ =	shalt  }
0x60: {  	_ =	shalt  }
0x61: {  	_ =	shalt  }
0x62: {  	_ =	shalt  }
0x63: {  	_ =	shalt  }
0x64: {  	_ =	shalt  }
0x65: {  	_ =	shalt  }
0x66: {  	_ =	shalt  }
0x67: {  	_ =	shalt  }
0x68: {  	_ =	shalt  }
0x69: {  	_ =	shalt  }
0x6a: {  	_ =	shalt  }
0x6b: {  	_ =	shalt  }
0x6c: {  	_ =	shalt  }
0x6d: {  	_ =	shalt  }
0x6e: {  	_ =	shalt  }
0x6f: {  	_ =	shalt  }
0x70: {  	_ =	shalt  }
0x71: {  	_ =	shalt  }
0x72: {  	_ =	shalt  }
0x73: {  	_ =	shalt  }
0x74: {  	_ =	shalt  }
0x75: {  	_ =	shalt  }
0x76: {  	_ =	shalt  }
0x77: {  	_ =	shalt  }
0x78: {  	_ =	shalt  }
0x79: {  	_ =	shalt  }
0x7a: {  	_ =	shalt  }
0x7b: {  	_ =	shalt  }
0x7c: {  	_ =	shalt  }
0x7d: {  	_ =	shalt  }
0x7e: {  	_ =	shalt  }
0x7f: {  	_ =	shalt  }
0x80: {  	_ =	shalt  }
0x81: {  	_ =	shalt  }
0x82: {  	_ =	shalt  }
0x83: {  	_ =	shalt  }
0x84: {  	_ =	shalt  }
0x85: {  	_ =	shalt  }
0x86: {  	_ =	shalt  }
0x87: {  	_ =	shalt  }
.Lfunc_end0:
.L_simem_size_0:
called_computation_lowered:
.L_overlay_start_0:
0x88: {  	s2 =	sld [smem:$0x3FD9]  }
0x89: {  	s3 =	sld [smem:$0x3FFE];
	_ =	sdelay $0x1  }
0x8a: {  	s1 =	srdreg.scid  }
0x8b: {  	s0 =	sand.u32 $0x1, s1  }
0x8c: {  	s18 =	sshll.u32 s0, $0xA;
	s2 =	sadd.s32 s3, s2  }
0x8d: {  	s2 =	sadd.s32 s2, s18  }
0x8e: {  	[smem:$0x3FC6] =	sst s2  }
0x8f: {  	_ = 	snop  }
0x90: {  	s2 =	sld [smem:$0x3FC9]  }
0x91: {  	s19 =	sld [smem:$0x3FC8]  }
0x92: {  	s4 =	sld [smem:$0x3FD0];
	(tm) =	ssettm $0x1  }
0x93: {  	s5 =	sld [smem:$0x3FFB];
	_ =	sdelay $0x3  }
0x94: {  	_ =	strace s5  }
0x95: {  	s5 =	sld [smem:$0x3FFC];
	_ =	sdelay $0x3  }
0x96: {  	_ =	strace s5  }
0x97: {  	s5 =	sld [smem:$0x3FFD];
	_ =	sdelay $0x3  }
0x98: {  	_ =	strace s5  }
0x99: {  	_ =	strace $0x8FFFFFFF  }
0x9a: {  	s20 =	sld [smem:$0x3FDB];
	_ =	sdelay $0x1  }
0x9b: {  	s6 =	simm.s32 $_scs_section_size  }
0x9c: {  	s7 =	simm.s32 $_size__tile_overlayer_lowered;
	s8 =	simm.s32 $_tile_overlayer_lowered  }
0x9d: {  	s23 =	simm.s32 $0x1BFF;
	s22 =	sshll.u32 s8, $0x1;
	s5 =	sadd.s32 s6, s20  }
0x9e: {  	s9 =	simm.s32 $0x0;
	s21 =	sshll.u32 s7, $0x1;
	s7 =	sadd.s32 s22, s5  }
0x9f: {  	[timem:s9], [sflag:s23] =	dma.local [hbm:s7], s21  }
0xa0: {  	_ =	swait.ge [sflag:s23], s21  }
0xa1: {  	s6 =	ssub.s32 $0x0, s21;
	[sflag:s23] =	ssyncset.done $0x0  }
0xa2: {  	[sflag:s23] =	ssyncadd.s32 s6;
	_ =	sdelay $0x1  }
0xa3: {  	s24 =	simm.s32 $0x1B8B  }
0xa4: {  	_ =	swait.ge [sflag:s24], $0x1  }
0xa5: {  	[sflag:s24] =	ssyncset.done $0x0  }
0xa6: {  	s25 =	simm.s32 $0x1B8E;
	[sflag:s24] =	ssyncadd.s32 $0xFFFFFFFF  }
0xa7: {  	s26 =	simm.s32 $execute0_lowered;
	[smem:$0x3FD2] =	sst s25  }
0xa8: {  	s6 =	sshll.u32 s26, $0x1;
	_ =	strace $0x80000046;
	[dreg:$0x1] =	wrdreg $0xFFFFFFFF  }
0xa9: {  	s28 =	simm.s32 $_size_execute0_lowered;
	s5 =	sadd.s32 s5, s6;
	[dreg:$0x0] =	wrdreg $0x0  }
0xaa: {  	s6 =	sshll.u32 s28, $0x1;
	[dreg:$0x2] =	wrdreg s5  }
0xab: {  	[dreg:$0x3] =	wrdreg s6  }
0xac: {  	[dreg:$0x4] =	wrdreg $0xC0  }
0xad: {  	_ =	task [dreg:s9], $0x5FFFF  }
0xae: {  	[dreg:$0x1] =	wrdreg $0xFFFFFFFF  }
0xaf: {  	[dreg:$0x0] =	wrdreg $0x60  }
0xb0: {  	[dreg:$0x2] =	wrdreg s2  }
0xb1: {  	[dreg:$0x3] =	wrdreg s19  }
0xb2: {  	[dreg:$0x4] =	wrdreg s4  }
0xb3: {  	[dreg:$0x5] =	wrdreg $0x0  }
0xb4: {  	[dreg:$0x6] =	wrdreg $0x9  }
0xb5: {  	_ =	task.clear_ibuf [dreg:s9], $0x7FFFF;
	_ =	strace $0x90000046  }
0xb6: {  	s29 =	simm.s32 $0x9;
	_ =	strace $0x80000048  }
0xb7: {  	_ =	swait.ge [sflag:s29], $0x1  }
0xb8: {  	[sflag:s29] =	ssyncadd.s32 $0xFFFFFFFF  }
0xb9: {  	_ =	strace $0x90000048  }
0xba: {  	_ =	sfence  }
0xbb: {  	s30 =	sld [smem:$0x0];
	_ =	sdelay $0x2  }
0xbc: {  	s31 =	sshll.u32 s1, $0xD;
	s1 =	sshrl.u32 s1, $0x2  }
0xbd: {  	s3 =	sand.u32 $0x4000, s31;
	s1 =	sadd.s32 s1, s30  }
0xbe: {  	s0 =	sor.u32 s3, s0;
	s1 =	sshll.u32 s1, $0x11  }
0xbf: {  	s0 =	sor.u32 s1, s0  }
0xc0: {  	s0 =	sadd.s32 $0x8F2B, s0  }
0xc1: {  	[sflag:s0] =	ssyncadd.remote.s32 $0x1  }
0xc2: {  	_ =	sfence.sel $0xFFFF  }
0xc3: {  	[dreg:$0x0] =	wrdreg $0xFFFFFFFF;
	(pc) =	sbr.abs _section_cstart, $3  }
0xc4: {  	[dreg:$0x1] =	wrdreg $0xFFFFFFFF  }
0xc5: {  	_ =	task.clear_ibuf [dreg:s9], $0x2FFFF;
	_ =	strace $0x9FFFFFFF  }
0xc6: {  	(tm) =	ssettm $0x7FFFFFFF  }
0xc7: {  	_ =	shalt  }
tec
execute0_lowered:
.L_overlay_start_1:
0x0: {  	(tag) =	ssettag $0x1  }
0x1: {  	s0 =	rddreg [dreg:$0x0]  }
0x2: {  	s9 =	rddreg [dreg:$0x1]  }
0x3: {  	s5 =	rddreg [dreg:$0x2]  }
0x4: {  	s3 =	rddreg [dreg:$0x3];
	s4 =	simm.s32 $0x0  }
0x5: {  	[smem:$0x7FF] =	sst s4;
	s21 =	sadd.s32 $0x3C00, s9  }
0x6: {  	s12 =	simm.s32 $0x1F80;
	_ =	strace $0x80000047;
	[dreg:$0x7] =	wrdreg s21  }
0x7: {  	s13 =	simm.s32 $0x1FC0;
	[dreg:$0x12] =	wrdreg s12  }
0x8: {  	s1 =	srdreg.scid;
	s14 =	simm.s32 $0x2000;
	[dreg:$0x13] =	wrdreg s13  }
0x9: {  	s8 =	stileid.u32;
	s15 =	simm.s32 $0x2040;
	[dreg:$0x14] =	wrdreg s14  }
0xa: {  	s16 =	simm.s32 $0x2080;
	s17 =	simm.s32 $0x20C0;
	[dreg:$0x15] =	wrdreg s15  }
0xb: {  	s2 =	sand.u32 $0x1, s1;
	s18 =	sshll.u32 s8, $0xA;
	[dreg:$0x16] =	wrdreg s16  }
0xc: {  	s6 =	sshll.u32 s2, $0x9;
	s19 =	sadd.s32 s9, s18;
	[dreg:$0x17] =	wrdreg s17  }
0xd: {  	s6 =	sor.u32 s6, s18;
	[dreg:$0x6] =	wrdreg s19  }
0xe: {  	s19 =	simm.s32 $0x2100;
	s7 =	sshrl.u32 s6, $0x3;
	s20 =	sshll.u32 s6, $0x4  }
0xf: {  	[dreg:$0x18] =	wrdreg s19;
	s0 =	sadd.s32 s0, s7;
	s6 =	sadd.s32 s5, s20  }
0x10: {  	[dreg:$0x5] =	wrdreg s0;
	s22 =	sadd.s32 $0x400, s6  }
0x11: {  	s23 =	sadd.s32 $0x800, s6;
	[dreg:$0x8] =	wrdreg s22  }
0x12: {  	s24 =	sadd.s32 $0xC00, s6;
	[dreg:$0x9] =	wrdreg s23  }
0x13: {  	s25 =	sadd.s32 $0x1000, s6;
	[dreg:$0xa] =	wrdreg s24  }
0x14: {  	s7 =	sadd.s32 $0x1400, s6;
	[dreg:$0xb] =	wrdreg s25  }
0x15: {  	p0 =	seq.s32 s8, $0xF;
	s10 =	sadd.s32 $0x1800, s6;
	[dreg:$0xc] =	wrdreg s7  }
0x16: {  	s5 =	sadd.s32 $0x1E000, s3;
	s11 =	sadd.s32 $0x1C00, s6;
	[dreg:$0xd] =	wrdreg s10  }
0x17: {  	s0 =	sshrl.u32 @p0 s5, $0x3;
	[dreg:$0xe] =	wrdreg s11  }
0x18: {  	s26 =	sshll.u32 s8, $0xD;
	s5 =	sshll.u32 @!p0 s8, $0x6;
	[dreg:$0x11] =	wrdreg s0  }
0x19: {  	s1 =	sadd.s32 s26, s3;
	s0 =	sor.u32 @!p0 $0x1C11, s5;
	s18 =	rddreg [dreg:$0x5]  }
0x1a: {  	s20 =	simm.s32 $0x1F40;
	[dreg:$0xf] =	wrdreg s0;
	s0 =	sshrl.u32 @!p0 s1, $0x3  }
0x1b: {  	[tilespmem:s20], [sflag:$0x11] =	stream.linear.gather [hbm4b:s18+s4], $0x200, $0x38;
	[tilespmem:$0x12140] =	vst v63  }
0x1c: {  	s21 =	simm.s32 $0x11;
	[dreg:$0x10] =	wrdreg s0  }
0x1d: {  	s8 =	simm.s32 $0x40;
	s10 =	simm.s32 $0x2140;
	_ =	swait.ge [sflag:s21], $0x200  }
0x1e: {  	s5 =	simm.s32 @p0 $0x1FD1;
	[sflag:s21] =	ssyncset.done $0x0;
	s0 =	rddreg [dreg:$0x7]  }
0x1f: {  	s11 =	simm.s32 @p0 $0x11;
	s1 =	rddreg [dreg:$0x11];
	[sflag:s21] =	ssyncadd.s32 $0xFFFFFE00  }
0x20: {  	[tilespmem:s10], [sflag:$0x1] =	stream.indirect.gather [hbm4b:s9+s8], $0x80, s20, s8, $0xb8;
	[tilespmem:$0x12140] =	vst v63  }
0x21: {  	[spmem:s1], [sflag:s5] =	dma.local @p0 [hbm:s0], $0x280  }
0x22: {  	_ =	swait.ge @p0 [sflag:s11], $0x280  }
0x23: {  	s0 =	rddreg [dreg:$0x10]  }
0x24: {  	s1 =	rddreg [dreg:$0x6];
	[sflag:s11] =	ssyncset.done @p0 $0x0  }
0x25: {  	s12 =	simm.s32 @!p0 $0x11;
	s5 =	rddreg [dreg:$0xf];
	[sflag:s11] =	ssyncadd.s32 @p0 $0xFFFFFD80  }
0x26: {  	[spmem:s0], [sflag:s5] =	dma.local @!p0 [hbm:s1], $0x400  }
0x27: {  	_ =	swait.ge @!p0 [sflag:s12], $0x400  }
0x28: {  	[sflag:s12] =	ssyncset.done @!p0 $0x0  }
0x29: {  	[sflag:s12] =	ssyncadd.s32 @!p0 $0xFFFFFC00  }
0x2a: {  	[bflag:$0x0] =	sbarrier.arrive $0xFFFF  }
0x2b: {  	s23 =	simm.s32 $0x4140;
	s22 =	rddreg [dreg:$0x12]  }
0x2c: {  	[tilespmem:s23], [sflag:$0x2] =	stream.indirect.gather [spmem:s3], $0x80, s22, s8, $0xb8;
	[tilespmem:$0x12140] =	vst v63  }
0x2d: {  	s25 =	simm.s32 $0x6140;
	s24 =	rddreg [dreg:$0x13]  }
0x2e: {  	[tilespmem:s25], [sflag:$0x3] =	stream.indirect.gather [spmem:s3], $0x80, s24, s8, $0xb8;
	[tilespmem:$0x12140] =	vst v63  }
0x2f: {  	s13 =	simm.s32 $0x8140;
	s26 =	rddreg [dreg:$0x14]  }
0x30: {  	[tilespmem:s13], [sflag:$0x4] =	stream.indirect.gather [spmem:s3], $0x80, s26, s8, $0xb8;
	[tilespmem:$0x12140] =	vst v63  }
0x31: {  	s14 =	simm.s32 $0xA140;
	s7 =	rddreg [dreg:$0x15]  }
0x32: {  	[tilespmem:s14], [sflag:$0x5] =	stream.indirect.gather [spmem:s3], $0x80, s7, s8, $0xb8;
	[tilespmem:$0x12140] =	vst v63  }
0x33: {  	s16 =	simm.s32 $0xC140;
	s15 =	rddreg [dreg:$0x16]  }
0x34: {  	[tilespmem:s16], [sflag:$0x6] =	stream.indirect.gather [spmem:s3], $0x80, s15, s8, $0xb8;
	[tilespmem:$0x12140] =	vst v63  }
0x35: {  	s17 =	rddreg [dreg:$0x17];
	s15 =	simm.s32 $0xE140  }
0x36: {  	[tilespmem:s15], [sflag:$0x7] =	stream.indirect.gather [spmem:s3], $0x80, s17, s8, $0xb8;
	[tilespmem:$0x12140] =	vst v63  }
0x37: {  	s19 =	simm.s32 $0x10140;
	s20 =	simm.s32 $0x1;
	s18 =	rddreg [dreg:$0x18]  }
0x38: {  	[tilespmem:s19], [sflag:$0x8] =	stream.indirect.gather [spmem:s3], $0x80, s18, s8, $0xb8;
	[tilespmem:$0x12140] =	vst v63  }
0x39: {  	_ =	swait.ge [sflag:s20], $0x2000  }
0x3a: {  	[sflag:s20] =	ssyncset.done $0x0  }
0x3b: {  	s21 =	simm.s32 $0x2;
	[dreg:$0x19] =	wrdreg s6;
	[sflag:s20] =	ssyncadd.s32 $0xFFFFE000  }
0x3c: {  	[hbm4b:s6+s4] =	stream.linear.scatter [tilespmem:s10], [sflag:$0x9], $0x2000, $0x38;
	[tilespmem:$0x12140] =	vst v63  }
0x3d: {  	_ =	swait.ge [sflag:s21], $0x2000  }
0x3e: {  	[sflag:s21] =	ssyncset.done $0x0  }
0x3f: {  	s22 =	simm.s32 $0x3;
	s26 =	rddreg [dreg:$0x8];
	[sflag:s21] =	ssyncadd.s32 $0xFFFFE000  }
0x40: {  	[hbm4b:s26+s4] =	stream.linear.scatter [tilespmem:s23], [sflag:$0xA], $0x2000, $0x38;
	[tilespmem:$0x12140] =	vst v63  }
0x41: {  	_ =	swait.ge [sflag:s22], $0x2000  }
0x42: {  	[sflag:s22] =	ssyncset.done $0x0  }
0x43: {  	s23 =	simm.s32 $0x4;
	s6 =	rddreg [dreg:$0x9];
	[sflag:s22] =	ssyncadd.s32 $0xFFFFE000  }
0x44: {  	[hbm4b:s6+s4] =	stream.linear.scatter [tilespmem:s25], [sflag:$0xB], $0x2000, $0x38;
	[tilespmem:$0x12140] =	vst v63  }
0x45: {  	_ =	swait.ge [sflag:s23], $0x2000  }
0x46: {  	[sflag:s23] =	ssyncset.done $0x0  }
0x47: {  	s24 =	simm.s32 $0x5;
	s10 =	rddreg [dreg:$0xa];
	[sflag:s23] =	ssyncadd.s32 $0xFFFFE000  }
0x48: {  	[hbm4b:s10+s4] =	stream.linear.scatter [tilespmem:s13], [sflag:$0xC], $0x2000, $0x38;
	[tilespmem:$0x12140] =	vst v63  }
0x49: {  	_ =	swait.ge [sflag:s24], $0x2000  }
0x4a: {  	[sflag:s24] =	ssyncset.done $0x0  }
0x4b: {  	s25 =	simm.s32 $0x6;
	s13 =	rddreg [dreg:$0xb];
	[sflag:s24] =	ssyncadd.s32 $0xFFFFE000  }
0x4c: {  	[hbm4b:s13+s4] =	stream.linear.scatter [tilespmem:s14], [sflag:$0xD], $0x2000, $0x38;
	[tilespmem:$0x12140] =	vst v63  }
0x4d: {  	_ =	swait.ge [sflag:s25], $0x2000  }
0x4e: {  	[sflag:s25] =	ssyncset.done $0x0  }
0x4f: {  	s26 =	simm.s32 $0x7;
	s14 =	rddreg [dreg:$0xc];
	[sflag:s25] =	ssyncadd.s32 $0xFFFFE000  }
0x50: {  	[hbm4b:s14+s4] =	stream.linear.scatter [tilespmem:s16], [sflag:$0xE], $0x2000, $0x38;
	[tilespmem:$0x12140] =	vst v63  }
0x51: {  	_ =	swait.ge [sflag:s26], $0x2000  }
0x52: {  	[sflag:s26] =	ssyncset.done $0x0  }
0x53: {  	s28 =	simm.s32 $0x8;
	s16 =	rddreg [dreg:$0xd];
	[sflag:s26] =	ssyncadd.s32 $0xFFFFE000  }
0x54: {  	[hbm4b:s16+s4] =	stream.linear.scatter [tilespmem:s15], [sflag:$0xF], $0x2000, $0x38;
	[tilespmem:$0x12140] =	vst v63  }
0x55: {  	_ =	swait.ge [sflag:s28], $0x2000  }
0x56: {  	[sflag:s28] =	ssyncset.done $0x0  }
0x57: {  	s29 =	simm.s32 $0x9;
	s17 =	rddreg [dreg:$0xe];
	[sflag:s28] =	ssyncadd.s32 $0xFFFFE000  }
0x58: {  	[hbm4b:s17+s4] =	stream.linear.scatter [tilespmem:s19], [sflag:$0x10], $0x2000, $0x38;
	[tilespmem:$0x12140] =	vst v63  }
0x59: {  	_ =	swait.ge [sflag:s29], $0x2000  }
0x5a: {  	[sflag:s29] =	ssyncset.done $0x0  }
0x5b: {  	s30 =	simm.s32 $0xA;
	[sflag:s29] =	ssyncadd.s32 $0xFFFFE000  }
0x5c: {  	_ =	swait.ge [sflag:s30], $0x2000  }
0x5d: {  	[sflag:s30] =	ssyncset.done $0x0  }
0x5e: {  	s31 =	simm.s32 $0xB;
	[sflag:s30] =	ssyncadd.s32 $0xFFFFE000  }
0x5f: {  	_ =	swait.ge [sflag:s31], $0x2000  }
0x60: {  	[sflag:s31] =	ssyncset.done $0x0  }
0x61: {  	s1 =	simm.s32 $0xC;
	[sflag:s31] =	ssyncadd.s32 $0xFFFFE000  }
0x62: {  	s18 =	ssub.s32 $0x2, s2;
	_ =	swait.ge [sflag:s1], $0x2000  }
0x63: {  	s19 =	sshrl.u32 s18, $0x1;
	[sflag:s1] =	ssyncset.done $0x0  }
0x64: {  	s0 =	simm.s32 $0xD;
	s5 =	ssub.s32 s18, s19;
	[sflag:s1] =	ssyncadd.s32 $0xFFFFE000  }
0x65: {  	s5 =	smax.u32 s5, $0x1;
	_ =	swait.ge [sflag:s0], $0x2000  }
0x66: {  	s10 =	sadd.s32 $0xFFFFFFFF, s5;
	[sflag:s0] =	ssyncset.done $0x0  }
0x67: {  	s2 =	simm.s32 $0xE;
	p1 =	sne.s32 s10, $0x0;
	[sflag:s0] =	ssyncadd.s32 $0xFFFFE000  }
.Ltmp0:
0x68: {  	_ =	swait.ge [sflag:s2], $0x2000;
	(pc) =	sbr.rel @!p1 .LBB2_3-.Ltmp0, $4  }
0x69: {  	[sflag:s2] =	ssyncset.done $0x0  }
0x6a: {  	s5 =	simm.s32 $0xF;
	[sflag:s2] =	ssyncadd.s32 $0xFFFFE000  }
0x6b: {  	_ =	swait.ge [sflag:s5], $0x2000  }
0x6c: {  	s6 =	simm.s32 $0x10;
	[sflag:s5] =	ssyncset.done $0x0  }
0x6d: {  	s17 =	simm.s32 $0x2140  }
0x6e: {  	s18 =	simm.s32 $0x6140;
	s19 =	simm.s32 $0x8140;
	s15 =	simm.s32 $0xA140  }
.LBB2_2:
0x6f: {  	[sflag:s5] =	ssyncadd.s32 $0xFFFFE000  }
0x70: {  	_ =	swait.ge [sflag:s6], $0x2000  }
0x71: {  	s16 =	simm.s32 $0x1F40;
	[sflag:s6] =	ssyncset.done $0x0  }
0x72: {  	s7 =	simm.s32 $0x11;
	s9 =	rddreg [dreg:$0x5];
	[sflag:s6] =	ssyncadd.s32 $0xFFFFE000  }
0x73: {  	[tilespmem:s16], [sflag:$0x11] =	stream.linear.gather [hbm4b:s9+s4], $0x200, $0x38;
	[tilespmem:$0x12140] =	vst v63  }
0x74: {  	_ =	swait.ge [sflag:s7], $0x200  }
0x75: {  	[sflag:s7] =	ssyncset.done $0x0  }
0x76: {  	s9 =	rddreg [dreg:$0x7];
	[sflag:s7] =	ssyncadd.s32 $0xFFFFFE00  }
0x77: {  	s14 =	rddreg [dreg:$0x1]  }
0x78: {  	[tilespmem:s17], [sflag:$0x1] =	stream.indirect.gather [hbm4b:s14+s8], $0x80, s16, s8, $0xb8;
	[tilespmem:$0x12140] =	vst v63  }
0x79: {  	s13 =	rddreg [dreg:$0x11];
	s14 =	simm.s32 @p0 $0x1FD1  }
0x7a: {  	[spmem:s13], [sflag:s14] =	dma.local @p0 [hbm:s9], $0x280  }
0x7b: {  	_ =	swait.ge @p0 [sflag:s11], $0x280  }
0x7c: {  	s9 =	rddreg [dreg:$0x10]  }
0x7d: {  	[sflag:s11] =	ssyncset.done @p0 $0x0;
	s13 =	rddreg [dreg:$0x6]  }
0x7e: {  	s14 =	rddreg [dreg:$0xf];
	[sflag:s11] =	ssyncadd.s32 @p0 $0xFFFFFD80  }
0x7f: {  	[spmem:s9], [sflag:s14] =	dma.local @!p0 [hbm:s13], $0x400  }
0x80: {  	_ =	swait.ge @!p0 [sflag:s12], $0x400  }
0x81: {  	[sflag:s12] =	ssyncset.done @!p0 $0x0  }
0x82: {  	[sflag:s12] =	ssyncadd.s32 @!p0 $0xFFFFFC00  }
0x83: {  	[bflag:$0x0] =	sbarrier.arrive $0xFFFF  }
0x84: {  	s16 =	simm.s32 $0x4140;
	s7 =	rddreg [dreg:$0x12]  }
0x85: {  	[tilespmem:s16], [sflag:$0x2] =	stream.indirect.gather [spmem:s3], $0x80, s7, s8, $0xb8;
	[tilespmem:$0x12140] =	vst v63  }
0x86: {  	s13 =	rddreg [dreg:$0x13]  }
0x87: {  	[tilespmem:s18], [sflag:$0x3] =	stream.indirect.gather [spmem:s3], $0x80, s13, s8, $0xb8;
	[tilespmem:$0x12140] =	vst v63  }
0x88: {  	s14 =	rddreg [dreg:$0x14]  }
0x89: {  	[tilespmem:s19], [sflag:$0x4] =	stream.indirect.gather [spmem:s3], $0x80, s14, s8, $0xb8;
	[tilespmem:$0x12140] =	vst v63  }
0x8a: {  	s7 =	rddreg [dreg:$0x15]  }
0x8b: {  	[tilespmem:s15], [sflag:$0x5] =	stream.indirect.gather [spmem:s3], $0x80, s7, s8, $0xb8;
	[tilespmem:$0x12140] =	vst v63  }
0x8c: {  	s13 =	rddreg [dreg:$0x16];
	s7 =	simm.s32 $0xC140  }
0x8d: {  	[tilespmem:s7], [sflag:$0x6] =	stream.indirect.gather [spmem:s3], $0x80, s13, s8, $0xb8;
	[tilespmem:$0x12140] =	vst v63  }
0x8e: {  	s14 =	rddreg [dreg:$0x17];
	s13 =	simm.s32 $0xE140  }
0x8f: {  	[tilespmem:s13], [sflag:$0x7] =	stream.indirect.gather [spmem:s3], $0x80, s14, s8, $0xb8;
	[tilespmem:$0x12140] =	vst v63  }
0x90: {  	s9 =	rddreg [dreg:$0x18];
	s14 =	simm.s32 $0x10140  }
0x91: {  	[tilespmem:s14], [sflag:$0x8] =	stream.indirect.gather [spmem:s3], $0x80, s9, s8, $0xb8;
	[tilespmem:$0x12140] =	vst v63  }
0x92: {  	_ =	swait.ge [sflag:s20], $0x2000  }
0x93: {  	[sflag:s20] =	ssyncset.done $0x0  }
0x94: {  	s9 =	rddreg [dreg:$0x19];
	[sflag:s20] =	ssyncadd.s32 $0xFFFFE000  }
0x95: {  	[hbm4b:s9+s4] =	stream.linear.scatter [tilespmem:s17], [sflag:$0x9], $0x2000, $0x38;
	[tilespmem:$0x12140] =	vst v63  }
0x96: {  	_ =	swait.ge [sflag:s21], $0x2000  }
0x97: {  	[sflag:s21] =	ssyncset.done $0x0  }
0x98: {  	s9 =	rddreg [dreg:$0x8];
	[sflag:s21] =	ssyncadd.s32 $0xFFFFE000  }
0x99: {  	[hbm4b:s9+s4] =	stream.linear.scatter [tilespmem:s16], [sflag:$0xA], $0x2000, $0x38;
	[tilespmem:$0x12140] =	vst v63  }
0x9a: {  	_ =	swait.ge [sflag:s22], $0x2000  }
0x9b: {  	[sflag:s22] =	ssyncset.done $0x0  }
0x9c: {  	s16 =	rddreg [dreg:$0x9];
	[sflag:s22] =	ssyncadd.s32 $0xFFFFE000  }
0x9d: {  	[hbm4b:s16+s4] =	stream.linear.scatter [tilespmem:s18], [sflag:$0xB], $0x2000, $0x38;
	[tilespmem:$0x12140] =	vst v63  }
0x9e: {  	_ =	swait.ge [sflag:s23], $0x2000  }
0x9f: {  	[sflag:s23] =	ssyncset.done $0x0  }
0xa0: {  	s16 =	rddreg [dreg:$0xa];
	[sflag:s23] =	ssyncadd.s32 $0xFFFFE000  }
0xa1: {  	[hbm4b:s16+s4] =	stream.linear.scatter [tilespmem:s19], [sflag:$0xC], $0x2000, $0x38;
	[tilespmem:$0x12140] =	vst v63  }
0xa2: {  	_ =	swait.ge [sflag:s24], $0x2000  }
0xa3: {  	[sflag:s24] =	ssyncset.done $0x0  }
0xa4: {  	s16 =	rddreg [dreg:$0xb];
	[sflag:s24] =	ssyncadd.s32 $0xFFFFE000  }
0xa5: {  	[hbm4b:s16+s4] =	stream.linear.scatter [tilespmem:s15], [sflag:$0xD], $0x2000, $0x38;
	[tilespmem:$0x12140] =	vst v63  }
0xa6: {  	_ =	swait.ge [sflag:s25], $0x2000  }
0xa7: {  	[sflag:s25] =	ssyncset.done $0x0  }
0xa8: {  	s16 =	rddreg [dreg:$0xc];
	[sflag:s25] =	ssyncadd.s32 $0xFFFFE000  }
0xa9: {  	[hbm4b:s16+s4] =	stream.linear.scatter [tilespmem:s7], [sflag:$0xE], $0x2000, $0x38;
	[tilespmem:$0x12140] =	vst v63  }
0xaa: {  	_ =	swait.ge [sflag:s26], $0x2000  }
0xab: {  	[sflag:s26] =	ssyncset.done $0x0  }
0xac: {  	s7 =	rddreg [dreg:$0xd];
	[sflag:s26] =	ssyncadd.s32 $0xFFFFE000  }
0xad: {  	[hbm4b:s7+s4] =	stream.linear.scatter [tilespmem:s13], [sflag:$0xF], $0x2000, $0x38;
	[tilespmem:$0x12140] =	vst v63  }
0xae: {  	_ =	swait.ge [sflag:s28], $0x2000  }
0xaf: {  	[sflag:s28] =	ssyncset.done $0x0  }
0xb0: {  	s16 =	rddreg [dreg:$0xe];
	[sflag:s28] =	ssyncadd.s32 $0xFFFFE000  }
0xb1: {  	[hbm4b:s16+s4] =	stream.linear.scatter [tilespmem:s14], [sflag:$0x10], $0x2000, $0x38;
	[tilespmem:$0x12140] =	vst v63  }
0xb2: {  	_ =	swait.ge [sflag:s29], $0x2000  }
0xb3: {  	[sflag:s29] =	ssyncset.done $0x0  }
0xb4: {  	[sflag:s29] =	ssyncadd.s32 $0xFFFFE000  }
0xb5: {  	_ =	swait.ge [sflag:s30], $0x2000  }
0xb6: {  	[sflag:s30] =	ssyncset.done $0x0  }
0xb7: {  	[sflag:s30] =	ssyncadd.s32 $0xFFFFE000  }
0xb8: {  	_ =	swait.ge [sflag:s31], $0x2000  }
0xb9: {  	[sflag:s31] =	ssyncset.done $0x0  }
0xba: {  	[sflag:s31] =	ssyncadd.s32 $0xFFFFE000  }
0xbb: {  	_ =	swait.ge [sflag:s1], $0x2000  }
0xbc: {  	[sflag:s1] =	ssyncset.done $0x0  }
0xbd: {  	[sflag:s1] =	ssyncadd.s32 $0xFFFFE000  }
0xbe: {  	_ =	swait.ge [sflag:s0], $0x2000  }
0xbf: {  	s10 =	sadd.s32 $0xFFFFFFFF, s10;
	[sflag:s0] =	ssyncset.done $0x0  }
0xc0: {  	p1 =	sne.s32 s10, $0x0;
	[sflag:s0] =	ssyncadd.s32 $0xFFFFE000  }
.Ltmp1:
0xc1: {  	_ =	swait.ge [sflag:s2], $0x2000;
	(pc) =	sbr.rel @p1 .LBB2_2-.Ltmp1, $4  }
0xc2: {  	[sflag:s2] =	ssyncset.done $0x0  }
0xc3: {  	[sflag:s2] =	ssyncadd.s32 $0xFFFFE000  }
0xc4: {  	_ =	swait.ge [sflag:s5], $0x2000  }
0xc5: {  	[sflag:s5] =	ssyncset.done $0x0  }
.LBB2_3:
0xc6: {  	[sflag:s5] =	ssyncadd.s32 $0xFFFFE000  }
0xc7: {  	_ =	swait.ge [sflag:s6], $0x2000  }
0xc8: {  	[sflag:s6] =	ssyncset.done $0x0  }
0xc9: {  	[sflag:s6] =	ssyncadd.s32 $0xFFFFE000  }
0xca: {  	_ =	sfence.sel $0x180000  }
0xcb: {  	[bflag:$0x0] =	sbarrier.arrive $0xFFFF  }
0xcc: {  	_ =	strace $0x90000047  }
0xcd: {  	s0 =	stileid.u32;
	[bflag:$0x2] =	sbarrier.arrive $0xFFFF  }
0xce: {  	p0 =	sne.s32 s0, $0x0;
	s0 =	rddreg [dreg:$0x4]  }
0xcf: {  	s0 =	sadd.s32 @!p0 $0x100000, s0  }
0xd0: {  	[sflag:s0] =	ssyncadd.tile.s32 @!p0 $0x1;
	_ =	shalt  }
.Lfunc_end2:
_tile_overlayer_lowered:
.L_overlay_start_2:
0xd1: {  	(tag) =	ssettag $0x2  }
0xd2: {  	s0 =	rddreg [dreg:$0x0];
	s2 =	stileid.u32  }
0xd3: {  	s1 =	rddreg [dreg:$0x1];
	p0 =	sne.s32 s2, $0x0  }
0xd4: {  	s3 =	rddreg [dreg:$0x2];
	[bflag:$0x3] =	sbarrier.arrive $0xFFFF;
	s2 =	simm.s32 @!p0 $0x1C11  }
0xd5: {  	[timem:s3], [sflag:s2] =	dma.local @!p0 [hbm:s0], s1  }
0xd6: {  	s0 =	simm.s32 @!p0 $0x11  }
0xd7: {  	_ =	swait.ge @!p0 [sflag:s0], s1  }
0xd8: {  	s1 =	ssub.s32 @!p0 $0x0, s1;
	[sflag:s0] =	ssyncset.done @!p0 $0x0  }
0xd9: {  	[sflag:s0] =	ssyncadd.s32 @!p0 s1  }
0xda: {  	[bflag:$0x3] =	sbarrier.arrive $0xFFFF  }
0xdb: {  	_ =	shalt  }

</sc_bundles>
